<compile_context>
chip_gen: v7x
topology: tpu7x:2x2x1
jax: 0.10.2.dev20260603
libtpu: 0.0.44.dev20260713+nightly
codegen_flags: <defaults>
</compile_context>

<pallas_src>
import functools

import jax
import jax.numpy as jnp
from jax import lax
from jax.experimental import pallas as pl
from jax.experimental.pallas import tpu as pltpu
from jax.experimental.pallas import tpu_sc as plsc

V = 8192
A = 300
AP = 384
D = 768
BATCH = 4
DIM = 8
NP = 8
K = 2
EPS = 1e-8

VBLK = 2048
NBLK = V // VBLK
BM = BATCH * DIM


def _score_body(P_ref, T_ref, W_ref, b_ref, Wb_ref, val_ref, idx_ref,
                a_s, qts_s, m_s, pn_s, v1_s, v2_s, i1_s, i2_s):
    step = pl.program_id(0)

    @pl.when(step == 0)
    def _init():
        Pf = P_ref[...]
        psum = jnp.sum(Pf, axis=1)
        pn_s[...] = jnp.sqrt(jnp.sum(Pf * Pf, axis=(1, 2)))[:, None]
        qts_s[...] = jnp.zeros((BM, AP), jnp.float32)
        qts_s[:, :A] = lax.dot_general(psum, T_ref[...], (((1,), (1,)), ((), ())),
                                       preferred_element_type=jnp.float32, precision=lax.Precision.HIGHEST)
        qts_s[:, A:A + 1] = jnp.sum(psum, axis=1, keepdims=True)
        m_s[...] = jnp.zeros((AP, AP), jnp.float32)
        m_s[:A, :A] = lax.dot_general(T_ref[...], T_ref[...],
                                      (((1,), (1,)), ((), ())),
                                      preferred_element_type=jnp.float32)
        ones_d = jnp.ones((1, D), jnp.float32)
        m_s[A:A + 1, :A] = 2.0 * lax.dot_general(
            ones_d, T_ref[...], (((1,), (1,)), ((), ())),
            preferred_element_type=jnp.float32, precision=lax.Precision.HIGHEST)
        m_s[A:A + 1, A:A + 1] = jnp.full((1, 1), float(D), jnp.float32)
        neg = jnp.full((BM, 1), -jnp.inf, dtype=jnp.float32)
        v1_s[...] = neg
        v2_s[...] = neg
        zero = jnp.zeros((BM, 1), dtype=jnp.int32)
        i1_s[...] = zero
        i2_s[...] = zero
        a_s[:, A + 1:] = jnp.zeros((VBLK, AP - A - 1), jnp.float32)

    a_s[:, :A] = W_ref[...]
    a_s[:, A:A + 1] = b_ref[...]
    A_blk = a_s[...]
    Wb_ref[...] = A_blk

    num = lax.dot_general(qts_s[...], A_blk, (((1,), (1,)), ((), ())),
                          preferred_element_type=jnp.float32)
    AM = jnp.dot(A_blk, m_s[...], preferred_element_type=jnp.float32)
    X = AM * A_blk
    ones_a = jnp.ones((1, AP), jnp.float32)
    en2 = lax.dot_general(ones_a, X, (((1,), (1,)), ((), ())),
                          preferred_element_type=jnp.float32)
    e_norm = jnp.sqrt(jnp.float32(NP) * en2)
    denom = jnp.maximum(e_norm, EPS) * jnp.maximum(pn_s[...], EPS)
    cos = num / denom

    iota = lax.broadcasted_iota(jnp.int32, (BM, VBLK), 1) + step * VBLK
    big = jnp.int32(2 ** 30)
    m1 = jnp.max(cos, axis=1, keepdims=True)
    j1 = jnp.min(jnp.where(cos == m1, iota, big), axis=1, keepdims=True)
    cos2 = jnp.where(iota == j1, -jnp.inf, cos)
    m2 = jnp.max(cos2, axis=1, keepdims=True)
    j2 = jnp.min(jnp.where(cos2 == m2, iota, big), axis=1, keepdims=True)

    v1o, v2o = v1_s[...], v2_s[...]
    i1o, i2o = i1_s[...], i2_s[...]
    take_new1 = m1 > v1o
    nv1 = jnp.where(take_new1, m1, v1o)
    ni1 = jnp.where(take_new1, j1, i1o)
    sec_a = jnp.where(take_new1, v1o, v2o)
    sec_ai = jnp.where(take_new1, i1o, i2o)
    sec_b = jnp.where(take_new1, m2, m1)
    sec_bi = jnp.where(take_new1, j2, j1)
    take_b = sec_b > sec_a
    v1_s[...] = nv1
    i1_s[...] = ni1
    v2_s[...] = jnp.where(take_b, sec_b, sec_a)
    i2_s[...] = jnp.where(take_b, sec_bi, sec_ai)

    @pl.when(step == NBLK - 1)
    def _emit():
        val_ref[:, 0:1] = v1_s[...]
        val_ref[:, 1:2] = v2_s[...]
        idx_ref[:, 0:1] = i1_s[...]
        idx_ref[:, 1:2] = i2_s[...]


def _scores(P3, T, W, b2):
    return pl.pallas_call(
        _score_body,
        grid=(NBLK,),
        in_specs=[
            pl.BlockSpec((BM, NP, D), lambda i: (0, 0, 0)),
            pl.BlockSpec((A, D), lambda i: (0, 0)),
            pl.BlockSpec((VBLK, A), lambda i: (i, 0)),
            pl.BlockSpec((VBLK, 1), lambda i: (i, 0)),
        ],
        out_specs=[
            pl.BlockSpec((VBLK, AP), lambda i: (i, 0)),
            pl.BlockSpec((BM, K), lambda i: (0, 0)),
            pl.BlockSpec((BM, K), lambda i: (0, 0)),
        ],
        out_shape=[
            jax.ShapeDtypeStruct((V, AP), jnp.float32),
            jax.ShapeDtypeStruct((BM, K), jnp.float32),
            jax.ShapeDtypeStruct((BM, K), jnp.int32),
        ],
        scratch_shapes=[
            pltpu.VMEM((VBLK, AP), jnp.float32),
            pltpu.VMEM((BM, AP), jnp.float32),
            pltpu.VMEM((AP, AP), jnp.float32),
            pltpu.VMEM((BM, 1), jnp.float32),
            pltpu.VMEM((BM, 1), jnp.float32),
            pltpu.VMEM((BM, 1), jnp.float32),
            pltpu.VMEM((BM, 1), jnp.int32),
            pltpu.VMEM((BM, 1), jnp.int32),
        ],
        compiler_params=pltpu.CompilerParams(
            dimension_semantics=("arbitrary",),
        ),
    )(P3, T, W, b2)


_NROWS = BM * K
_NWORK = 8
_RPW = _NROWS // _NWORK


def _sc_gather(idx_flat, Wb):
    mesh = plsc.VectorSubcoreMesh(core_axis_name="c", subcore_axis_name="s")
    info = plsc.get_sparse_core_info()
    nc = info.num_cores

    @functools.partial(
        pl.kernel,
        mesh=mesh,
        out_type=jax.ShapeDtypeStruct((_NROWS, AP), jnp.float32),
        scratch_types=[
            pltpu.VMEM((_RPW,), jnp.int32),
            pltpu.VMEM((_RPW, AP), jnp.float32),
            pltpu.SemaphoreType.DMA,
        ],
    )
    def gather_k(idx_hbm, table_hbm, out_hbm, idx_v, rows_v, sem):
        wid = lax.axis_index("s") * nc + lax.axis_index("c")

        @pl.when(wid < _NWORK)
        def _():
            base = wid * _RPW
            pltpu.sync_copy(idx_hbm.at[pl.ds(base, _RPW)], idx_v)
            pltpu.async_copy(table_hbm.at[idx_v], rows_v, sem).wait()
            pltpu.sync_copy(rows_v, out_hbm.at[pl.ds(base, _RPW)])

    return gather_k(idx_flat, Wb)


def _expand_body(g_ref, Ta_ref, out_ref):
    out_ref[...] = jnp.dot(g_ref[...], Ta_ref[...],
                           preferred_element_type=jnp.float32, precision=lax.Precision.HIGHEST)


def _expand(g, T_aug):
    return pl.pallas_call(
        _expand_body,
        out_shape=jax.ShapeDtypeStruct((_NROWS, D), jnp.float32),
    )(g, T_aug)


def kernel(P, T, W, b):
    P3 = P.reshape(BM, NP, D)
    b2 = b.reshape(V, 1)
    Wb, vals, idx = _scores(P3, T, W, b2)
    g = _sc_gather(idx.reshape(_NROWS), Wb)
    T_aug = jnp.concatenate(
        [T, jnp.ones((1, D), jnp.float32), jnp.zeros((AP - A - 1, D), jnp.float32)],
        axis=0)
    e_k = _expand(g, T_aug)
    Z = jnp.concatenate([e_k.reshape(BATCH, DIM, K, D), P], axis=2)
    return Z, vals.reshape(BATCH, DIM, K)

# --- scband reference (transcript-rebuilt; emitter-appended) ---
"""Pipeline reference for scband-semantic-space-informed-prompting-32779190403680 (READ-ONLY COPY).

The authoritative reference and input builder live on the scoring server;
editing this copy changes nothing except your own understanding.
"""

import jax, jax.numpy as jnp
import numpy as np

# Shapes (see notes): stored table T is [A=300, Dw=768]; module transposes to [768,300],
# applies Linear(300 -> vocab_dim=8192), transposes again -> effective search table E [V=8192, D=768].
# P is [batch=4, dim=8, N_p=8, D=768]. K = prompt_length = 2.
V = 8192
A = 300
D = 768
BATCH = 4
DIM = 8
NP = 8
K = 2
EPS = 1e-8


def setup_inputs(seed: int = 0) -> dict:
    key = jax.random.key(seed)
    k1, k2, k3, k4 = jax.random.split(key, 4)
    P = jax.random.normal(k1, (BATCH, DIM, NP, D), dtype=jnp.float32)
    # stored word-embedding tensor (loaded via torch.load in the original)
    T = jax.random.normal(k2, (A, D), dtype=jnp.float32) * 0.02
    # f_e = nn.Linear(A, V)
    W = jax.random.normal(k3, (V, A), dtype=jnp.float32) * (1.0 / np.sqrt(A))
    b = jax.random.uniform(k4, (V,), dtype=jnp.float32, minval=-1.0 / np.sqrt(A), maxval=1.0 / np.sqrt(A))
    return {"P": P, "T": T, "W": W, "b": b}


def reference(P, T, W, b):
    # self.word_embeddings = T.t()  -> [D, A]
    we = T.T
    # word_embeddings = self.f_e(self.word_embeddings).t() -> [V, D]
    E = (we @ W.T + b).T  # [V, D]

    Bb, Dm, Np, Dd = P.shape

    # cosine_similarity(tile(E_v, Np), P_flat) computed without materializing the
    # [V, Np*D] expanded tensor (mathematically identical):
    #   numerator: dot(tile(E_v,Np), P_flat) = dot(E_v, sum_j P[j])
    #   ||tile(E_v,Np)|| = sqrt(Np) * ||E_v||
    Psum = P.sum(axis=2)  # [B, Dm, D]
    num = jnp.einsum('vd,bmd->bmv', E, Psum)  # [B, Dm, V]
    p_norm = jnp.sqrt(jnp.sum(P.reshape(Bb, Dm, -1) ** 2, axis=-1))  # [B, Dm]
    e_norm = jnp.sqrt(Np * jnp.sum(E ** 2, axis=-1))  # [V]
    cos = num / (jnp.maximum(e_norm, EPS)[None, None, :] * jnp.maximum(p_norm, EPS)[..., None])

    # per (batch, dim) top-K over the vocab axis
    values, indices = jax.lax.top_k(cos, K)  # [B, Dm, K]
    e_k = jnp.take(E, indices, axis=0)  # [B, Dm, K, D]
    Z = jnp.concatenate([e_k, P], axis=2)  # [B, Dm, K + Np, D]
    return Z, values

if __name__ == "__main__":
    import jax
    _d = setup_inputs()
    print(jax.jit(kernel)(*tuple(_d.values())))

</pallas_src>

<mosaic_0001>
#map = affine_map<(d0, d1) -> (0)>
#map1 = affine_map<(d0, d1) -> (0, 0)>
module attributes {stable_mosaic.version = 14 : i64} {
  func.func @gather_k(%arg0: i32, %arg1: i32, %arg2: memref<64xi32, #tpu.memory_space<hbm>>, %arg3: memref<8192x384xf32, #tpu.memory_space<hbm>>, %arg4: memref<64x384xf32, #tpu.memory_space<hbm>>, %arg5: memref<8xi32, #tpu.memory_space<vmem>>, %arg6: memref<8x384xf32, #tpu.memory_space<vmem>>, %arg7: memref<!tpu.dma_semaphore, #tpu.memory_space<semaphore_mem>>) attributes {dimension_semantics = [#tpu.dimension_semantics<core_parallel>, #tpu.dimension_semantics<subcore_parallel>], iteration_bounds = array<i64: 2, 16>, scalar_prefetch = 0 : i64, scratch_operands = 3 : i64, tpu.core_type = #tpu.core_type<sc_vector_subcore>, window_params = [{transform_indices = #map}, {transform_indices = #map1}, {transform_indices = #map1}]} {
    %mul3A = arith.constant 2 : i32
    %mul3A_0 = arith.muli %arg1, %mul3A : i32
    %add3A = arith.addi %mul3A_0, %arg0 : i32
    %lt3A = arith.constant 8 : i32
    %lt3A_1 = arith.cmpi slt, %add3A, %lt3A : i32
    %convert_element_type3A = arith.extui %lt3A_1 : i1 to i32
    %cond3A = arith.constant 0 : i32
    %cond3A_2 = arith.cmpi ne, %convert_element_type3A, %cond3A : i32
    scf.if %cond3A_2 {
      %mul3A_3 = arith.constant 8 : i32
      %mul3A_4 = arith.muli %add3A, %mul3A_3 : i32
      "tpu.region"() ({
        %run_scoped3A = tpu.sem_alloc : memref<!tpu.dma_semaphore, #tpu.memory_space<semaphore_mem>>
        %dma_start3A_9 = tpu.memref_slice %arg2[%mul3A_4] : memref<64xi32, #tpu.memory_space<hbm>> -> memref<8xi32, #tpu.memory_space<hbm>>
        %dma_start3A_10 = tpu.memref_slice %arg2[%mul3A_4] : memref<64xi32, #tpu.memory_space<hbm>> -> memref<8xi32, #tpu.memory_space<hbm>>
        tpu.enqueue_dma source(%dma_start3A_10 : memref<8xi32, #tpu.memory_space<hbm>>) target(%arg5 : memref<8xi32, #tpu.memory_space<vmem>>) target_semaphore(%run_scoped3A : memref<!tpu.dma_semaphore, #tpu.memory_space<semaphore_mem>>)
        %dma_wait3A_11 = tpu.memref_slice %arg2[%mul3A_4] : memref<64xi32, #tpu.memory_space<hbm>> -> memref<8xi32, #tpu.memory_space<hbm>>
        %dma_wait3A_12 = tpu.memref_slice %arg2[%mul3A_4] : memref<64xi32, #tpu.memory_space<hbm>> -> memref<8xi32, #tpu.memory_space<hbm>>
        tpu.wait_dma2 semaphore(%run_scoped3A : memref<!tpu.dma_semaphore, #tpu.memory_space<semaphore_mem>>) src(%dma_wait3A_12 : memref<8xi32, #tpu.memory_space<hbm>>) dst(%arg5 : memref<8xi32, #tpu.memory_space<vmem>>)
        tpu.yield
      }) : () -> ()
      %dma_start3A = arith.constant 0 : i32
      %dma_start3A_5 = arith.constant 0 : i32
      %dma_start3A_6 = tpu.memref_slice %arg3[%dma_start3A, %dma_start3A_5] : memref<8192x384xf32, #tpu.memory_space<hbm>> -> memref<8192x384xf32, #tpu.memory_space<hbm>>
      tpu.enqueue_indirect_dma source(%dma_start3A_6 : memref<8192x384xf32, #tpu.memory_space<hbm>>) target(%arg6 : memref<8x384xf32, #tpu.memory_space<vmem>>) offsets(%arg5 : memref<8xi32, #tpu.memory_space<vmem>>) semaphore(%arg7 : memref<!tpu.dma_semaphore, #tpu.memory_space<semaphore_mem>>)
      %dma_wait3A = arith.constant 0 : i32
      %dma_wait3A_7 = arith.constant 0 : i32
      %dma_wait3A_8 = tpu.memref_slice %arg3[%dma_wait3A, %dma_wait3A_7] : memref<8192x384xf32, #tpu.memory_space<hbm>> -> memref<8192x384xf32, #tpu.memory_space<hbm>>
      tpu.wait_indirect_dma semaphore(%arg7 : memref<!tpu.dma_semaphore, #tpu.memory_space<semaphore_mem>>) src(%dma_wait3A_8 : memref<8192x384xf32, #tpu.memory_space<hbm>>) dst(%arg6 : memref<8x384xf32, #tpu.memory_space<vmem>>)
      "tpu.region"() ({
        %run_scoped3A = tpu.sem_alloc : memref<!tpu.dma_semaphore, #tpu.memory_space<semaphore_mem>>
        %dma_start3A_9 = arith.constant 0 : i32
        %dma_start3A_10 = tpu.memref_slice %arg4[%mul3A_4, %dma_start3A_9] : memref<64x384xf32, #tpu.memory_space<hbm>> -> memref<8x384xf32, #tpu.memory_space<hbm>>
        %dma_start3A_11 = arith.constant 0 : i32
        %dma_start3A_12 = tpu.memref_slice %arg4[%mul3A_4, %dma_start3A_11] : memref<64x384xf32, #tpu.memory_space<hbm>> -> memref<8x384xf32, #tpu.memory_space<hbm>>
        tpu.enqueue_dma source(%arg6 : memref<8x384xf32, #tpu.memory_space<vmem>>) target(%dma_start3A_12 : memref<8x384xf32, #tpu.memory_space<hbm>>) target_semaphore(%run_scoped3A : memref<!tpu.dma_semaphore, #tpu.memory_space<semaphore_mem>>)
        %dma_wait3A_13 = arith.constant 0 : i32
        %dma_wait3A_14 = tpu.memref_slice %arg4[%mul3A_4, %dma_wait3A_13] : memref<64x384xf32, #tpu.memory_space<hbm>> -> memref<8x384xf32, #tpu.memory_space<hbm>>
        %dma_wait3A_15 = arith.constant 0 : i32
        %dma_wait3A_16 = tpu.memref_slice %arg4[%mul3A_4, %dma_wait3A_15] : memref<64x384xf32, #tpu.memory_space<hbm>> -> memref<8x384xf32, #tpu.memory_space<hbm>>
        tpu.wait_dma2 semaphore(%run_scoped3A : memref<!tpu.dma_semaphore, #tpu.memory_space<semaphore_mem>>) src(%arg6 : memref<8x384xf32, #tpu.memory_space<vmem>>) dst(%dma_wait3A_16 : memref<8x384xf32, #tpu.memory_space<hbm>>)
        tpu.yield
      }) : () -> ()
    } else {
    }
    return
  }
}

module attributes {stable_mosaic.version = 14 : i64} {
  func.func @_score_body(%arg0: i32, %arg1: memref<32x8x768xf32, #tpu.memory_space<vmem>>, %arg2: memref<300x768xf32, #tpu.memory_space<vmem>>, %arg3: memref<2048x300xf32, #tpu.memory_space<vmem>>, %arg4: memref<2048x1xf32, #tpu.memory_space<vmem>>, %arg5: memref<2048x384xf32, #tpu.memory_space<vmem>>, %arg6: memref<32x2xf32, #tpu.memory_space<vmem>>, %arg7: memref<32x2xi32, #tpu.memory_space<vmem>>, %arg8: memref<2048x384xf32, #tpu.memory_space<vmem>>, %arg9: memref<32x384xf32, #tpu.memory_space<vmem>>, %arg10: memref<384x384xf32, #tpu.memory_space<vmem>>, %arg11: memref<32x1xf32, #tpu.memory_space<vmem>>, %arg12: memref<32x1xf32, #tpu.memory_space<vmem>>, %arg13: memref<32x1xf32, #tpu.memory_space<vmem>>, %arg14: memref<32x1xi32, #tpu.memory_space<vmem>>, %arg15: memref<32x1xi32, #tpu.memory_space<vmem>>) attributes {dimension_semantics = [#tpu.dimension_semantics<arbitrary>], iteration_bounds = array<i64: 4>, scalar_prefetch = 0 : i64, scratch_operands = 8 : i64, tpu.core_type = #tpu.core_type<tc>, window_params = [{pipeline_mode = #tpu.pipeline_mode<synchronous>, transform_indices = @transform_0, window_bounds = array<i64: 32, 8, 768>}, {pipeline_mode = #tpu.pipeline_mode<synchronous>, transform_indices = @transform_1, window_bounds = array<i64: 300, 768>}, {transform_indices = @transform_2, window_bounds = array<i64: 2048, 300>}, {transform_indices = @transform_3, window_bounds = array<i64: 2048, 1>}, {transform_indices = @transform_4, window_bounds = array<i64: 2048, 384>}, {pipeline_mode = #tpu.pipeline_mode<synchronous>, transform_indices = @transform_5, window_bounds = array<i64: 32, 2>}, {pipeline_mode = #tpu.pipeline_mode<synchronous>, transform_indices = @transform_6, window_bounds = array<i64: 32, 2>}]} {
    %eq3A = arith.constant 0 : i32
    %eq3A_0 = arith.cmpi eq, %arg0, %eq3A : i32
    %convert_element_type3A = arith.extui %eq3A_0 : i1 to i32
    %cond3A = arith.constant 0 : i32
    %cond3A_1 = arith.cmpi ne, %convert_element_type3A, %cond3A : i32
    scf.if %cond3A_1 {
      %get3A_108 = arith.constant 0 : index
      %get3A_109 = arith.constant 0 : index
      %get3A_110 = arith.constant 0 : index
      %get3A_111 = vector.load %arg1[%get3A_108, %get3A_109, %get3A_110] : memref<32x8x768xf32, #tpu.memory_space<vmem>>, vector<32x8x768xf32>
      %reduce_sum3A = arith.constant dense<0.000000e+00> : vector<32x768xf32>
      %reduce_sum3A_112 = vector.multi_reduction <add>, %get3A_111, %reduce_sum3A [1] : vector<32x8x768xf32> to vector<32x768xf32>
      %mul3A_113 = arith.mulf %get3A_111, %get3A_111 : vector<32x8x768xf32>
      %reduce_sum3A_114 = arith.constant dense<0.000000e+00> : vector<32xf32>
      %reduce_sum3A_115 = vector.multi_reduction <add>, %mul3A_113, %reduce_sum3A_114 [1, 2] : vector<32x8x768xf32> to vector<32xf32>
      %sqrt3A_116 = math.sqrt %reduce_sum3A_115 : vector<32xf32>
      %broadcast_in_dim3A_117 = vector.shape_cast %sqrt3A_116 : vector<32xf32> to vector<32x1xf32>
      %swap3A_118 = arith.constant 0 : index
      %swap3A_119 = arith.constant 0 : index
      %swap3A_120 = vector.load %arg11[%swap3A_118, %swap3A_119] : memref<32x1xf32, #tpu.memory_space<vmem>>, vector<32x1xf32>
      tpu.vector_store %arg11[%swap3A_118, %swap3A_119], %broadcast_in_dim3A_117 {strides = array<i32>} : memref<32x1xf32, #tpu.memory_space<vmem>>, vector<32x1xf32>,
      %broadcast_in_dim3A_121 = arith.constant 0.000000e+00 : f32
      %broadcast_in_dim3A_122 = vector.broadcast %broadcast_in_dim3A_121 : f32 to vector<32x384xf32>
      %swap3A_123 = arith.constant 0 : index
      %swap3A_124 = arith.constant 0 : index
      %swap3A_125 = vector.load %arg9[%swap3A_123, %swap3A_124] : memref<32x384xf32, #tpu.memory_space<vmem>>, vector<32x384xf32>
      tpu.vector_store %arg9[%swap3A_123, %swap3A_124], %broadcast_in_dim3A_122 {strides = array<i32>} : memref<32x384xf32, #tpu.memory_space<vmem>>, vector<32x384xf32>,
      %get3A_126 = arith.constant 0 : index
      %get3A_127 = arith.constant 0 : index
      %get3A_128 = vector.load %arg2[%get3A_126, %get3A_127] : memref<300x768xf32, #tpu.memory_space<vmem>>, vector<300x768xf32>
      %dot_general3A_129 = arith.constant dense<0.000000e+00> : vector<32x300xf32>
      %dot_general3A_130 = tpu.matmul %reduce_sum3A_112, %get3A_128, %dot_general3A_129 {dimension_numbers = #tpu.dot_dimension_numbers<[1], [1], [0], [0], [0, 0, 1, 0], [], []>, precision = #tpu.contract_precision<fp32>, transpose_lhs_hint = false} : vector<32x768xf32>, vector<300x768xf32>, vector<32x300xf32> -> vector<32x300xf32>
      %swap3A_131 = arith.constant 0 : index
      %swap3A_132 = arith.constant 0 : index
      %swap3A_133 = vector.load %arg9[%swap3A_131, %swap3A_132] : memref<32x384xf32, #tpu.memory_space<vmem>>, vector<32x300xf32>
      tpu.vector_store %arg9[%swap3A_131, %swap3A_132], %dot_general3A_130 {strides = array<i32>} : memref<32x384xf32, #tpu.memory_space<vmem>>, vector<32x300xf32>,
      %reduce_sum3A_134 = arith.constant dense<0.000000e+00> : vector<32xf32>
      %reduce_sum3A_135 = vector.multi_reduction <add>, %reduce_sum3A_112, %reduce_sum3A_134 [1] : vector<32x768xf32> to vector<32xf32>
      %broadcast_in_dim3A_136 = vector.shape_cast %reduce_sum3A_135 : vector<32xf32> to vector<32x1xf32>
      %swap3A_137 = arith.constant 0 : index
      %swap3A_138 = arith.constant 300 : index
      %swap3A_139 = vector.load %arg9[%swap3A_137, %swap3A_138] : memref<32x384xf32, #tpu.memory_space<vmem>>, vector<32x1xf32>
      tpu.vector_store %arg9[%swap3A_137, %swap3A_138], %broadcast_in_dim3A_136 {strides = array<i32>} : memref<32x384xf32, #tpu.memory_space<vmem>>, vector<32x1xf32>,
      %broadcast_in_dim3A_140 = arith.constant 0.000000e+00 : f32
      %broadcast_in_dim3A_141 = vector.broadcast %broadcast_in_dim3A_140 : f32 to vector<384x384xf32>
      %swap3A_142 = arith.constant 0 : index
      %swap3A_143 = arith.constant 0 : index
      %swap3A_144 = vector.load %arg10[%swap3A_142, %swap3A_143] : memref<384x384xf32, #tpu.memory_space<vmem>>, vector<384x384xf32>
      tpu.vector_store %arg10[%swap3A_142, %swap3A_143], %broadcast_in_dim3A_141 {strides = array<i32>} : memref<384x384xf32, #tpu.memory_space<vmem>>, vector<384x384xf32>,
      %get3A_145 = arith.constant 0 : index
      %get3A_146 = arith.constant 0 : index
      %get3A_147 = vector.load %arg2[%get3A_145, %get3A_146] : memref<300x768xf32, #tpu.memory_space<vmem>>, vector<300x768xf32>
      %get3A_148 = arith.constant 0 : index
      %get3A_149 = arith.constant 0 : index
      %get3A_150 = vector.load %arg2[%get3A_148, %get3A_149] : memref<300x768xf32, #tpu.memory_space<vmem>>, vector<300x768xf32>
      %dot_general3A_151 = arith.constant dense<0.000000e+00> : vector<300x300xf32>
      %dot_general3A_152 = tpu.matmul %get3A_147, %get3A_150, %dot_general3A_151 {dimension_numbers = #tpu.dot_dimension_numbers<[1], [1], [0], [0], [0, 0, 1, 0], [], []>, transpose_lhs_hint = false} : vector<300x768xf32>, vector<300x768xf32>, vector<300x300xf32> -> vector<300x300xf32>
      %swap3A_153 = arith.constant 0 : index
      %swap3A_154 = arith.constant 0 : index
      %swap3A_155 = vector.load %arg10[%swap3A_153, %swap3A_154] : memref<384x384xf32, #tpu.memory_space<vmem>>, vector<300x300xf32>
      tpu.vector_store %arg10[%swap3A_153, %swap3A_154], %dot_general3A_152 {strides = array<i32>} : memref<384x384xf32, #tpu.memory_space<vmem>>, vector<300x300xf32>,
      %broadcast_in_dim3A_156 = arith.constant 1.000000e+00 : f32
      %broadcast_in_dim3A_157 = vector.broadcast %broadcast_in_dim3A_156 : f32 to vector<1x768xf32>
      %get3A_158 = arith.constant 0 : index
      %get3A_159 = arith.constant 0 : index
      %get3A_160 = vector.load %arg2[%get3A_158, %get3A_159] : memref<300x768xf32, #tpu.memory_space<vmem>>, vector<300x768xf32>
      %dot_general3A_161 = arith.constant dense<0.000000e+00> : vector<1x300xf32>
      %dot_general3A_162 = tpu.matmul %broadcast_in_dim3A_157, %get3A_160, %dot_general3A_161 {dimension_numbers = #tpu.dot_dimension_numbers<[1], [1], [0], [0], [0, 0, 1, 0], [], []>, precision = #tpu.contract_precision<fp32>, transpose_lhs_hint = false} : vector<1x768xf32>, vector<300x768xf32>, vector<1x300xf32> -> vector<1x300xf32>
      %mul3A_163 = arith.constant 2.000000e+00 : f32
      %mul3A_164 = vector.broadcast %mul3A_163 : f32 to vector<1x300xf32>
      %mul3A_165 = arith.mulf %mul3A_164, %dot_general3A_162 : vector<1x300xf32>
      %swap3A_166 = arith.constant 300 : index
      %swap3A_167 = arith.constant 0 : index
      %swap3A_168 = vector.load %arg10[%swap3A_166, %swap3A_167] : memref<384x384xf32, #tpu.memory_space<vmem>>, vector<1x300xf32>
      tpu.vector_store %arg10[%swap3A_166, %swap3A_167], %mul3A_165 {strides = array<i32>} : memref<384x384xf32, #tpu.memory_space<vmem>>, vector<1x300xf32>,
      %broadcast_in_dim3A_169 = arith.constant 7.680000e+02 : f32
      %broadcast_in_dim3A_170 = vector.broadcast %broadcast_in_dim3A_169 : f32 to vector<1x1xf32>
      %swap3A_171 = arith.constant 300 : index
      %swap3A_172 = arith.constant 300 : index
      %swap3A_173 = vector.load %arg10[%swap3A_171, %swap3A_172] : memref<384x384xf32, #tpu.memory_space<vmem>>, vector<1x1xf32>
      tpu.vector_store %arg10[%swap3A_171, %swap3A_172], %broadcast_in_dim3A_170 {strides = array<i32>} : memref<384x384xf32, #tpu.memory_space<vmem>>, vector<1x1xf32>,
      %broadcast_in_dim3A_174 = arith.constant 0xFF800000 : f32
      %broadcast_in_dim3A_175 = vector.broadcast %broadcast_in_dim3A_174 : f32 to vector<32x1xf32>
      %swap3A_176 = arith.constant 0 : index
      %swap3A_177 = arith.constant 0 : index
      %swap3A_178 = vector.load %arg12[%swap3A_176, %swap3A_177] : memref<32x1xf32, #tpu.memory_space<vmem>>, vector<32x1xf32>
      tpu.vector_store %arg12[%swap3A_176, %swap3A_177], %broadcast_in_dim3A_175 {strides = array<i32>} : memref<32x1xf32, #tpu.memory_space<vmem>>, vector<32x1xf32>,
      %swap3A_179 = arith.constant 0 : index
      %swap3A_180 = arith.constant 0 : index
      %swap3A_181 = vector.load %arg13[%swap3A_179, %swap3A_180] : memref<32x1xf32, #tpu.memory_space<vmem>>, vector<32x1xf32>
      tpu.vector_store %arg13[%swap3A_179, %swap3A_180], %broadcast_in_dim3A_175 {strides = array<i32>} : memref<32x1xf32, #tpu.memory_space<vmem>>, vector<32x1xf32>,
      %broadcast_in_dim3A_182 = arith.constant 0 : i32
      %broadcast_in_dim3A_183 = vector.broadcast %broadcast_in_dim3A_182 : i32 to vector<32x1xi32>
      %swap3A_184 = arith.constant 0 : index
      %swap3A_185 = arith.constant 0 : index
      %swap3A_186 = vector.load %arg14[%swap3A_184, %swap3A_185] : memref<32x1xi32, #tpu.memory_space<vmem>>, vector<32x1xi32>
      tpu.vector_store %arg14[%swap3A_184, %swap3A_185], %broadcast_in_dim3A_183 {strides = array<i32>} : memref<32x1xi32, #tpu.memory_space<vmem>>, vector<32x1xi32>,
      %swap3A_187 = arith.constant 0 : index
      %swap3A_188 = arith.constant 0 : index
      %swap3A_189 = vector.load %arg15[%swap3A_187, %swap3A_188] : memref<32x1xi32, #tpu.memory_space<vmem>>, vector<32x1xi32>
      tpu.vector_store %arg15[%swap3A_187, %swap3A_188], %broadcast_in_dim3A_183 {strides = array<i32>} : memref<32x1xi32, #tpu.memory_space<vmem>>, vector<32x1xi32>,
      %broadcast_in_dim3A_190 = arith.constant 0.000000e+00 : f32
      %broadcast_in_dim3A_191 = vector.broadcast %broadcast_in_dim3A_190 : f32 to vector<2048x83xf32>
      %swap3A_192 = arith.constant 0 : index
      %swap3A_193 = arith.constant 301 : index
      %swap3A_194 = vector.load %arg8[%swap3A_192, %swap3A_193] : memref<2048x384xf32, #tpu.memory_space<vmem>>, vector<2048x83xf32>
      tpu.vector_store %arg8[%swap3A_192, %swap3A_193], %broadcast_in_dim3A_191 {strides = array<i32>} : memref<2048x384xf32, #tpu.memory_space<vmem>>, vector<2048x83xf32>,
    } else {
    }
    %get3A = arith.constant 0 : index
    %get3A_2 = arith.constant 0 : index
    %get3A_3 = vector.load %arg3[%get3A, %get3A_2] : memref<2048x300xf32, #tpu.memory_space<vmem>>, vector<2048x300xf32>
    %swap3A = arith.constant 0 : index
    %swap3A_4 = arith.constant 0 : index
    %swap3A_5 = vector.load %arg8[%swap3A, %swap3A_4] : memref<2048x384xf32, #tpu.memory_space<vmem>>, vector<2048x300xf32>
    tpu.vector_store %arg8[%swap3A, %swap3A_4], %get3A_3 {strides = array<i32>} : memref<2048x384xf32, #tpu.memory_space<vmem>>, vector<2048x300xf32>,
    %get3A_6 = arith.constant 0 : index
    %get3A_7 = arith.constant 0 : index
    %get3A_8 = vector.load %arg4[%get3A_6, %get3A_7] : memref<2048x1xf32, #tpu.memory_space<vmem>>, vector<2048x1xf32>
    %swap3A_9 = arith.constant 0 : index
    %swap3A_10 = arith.constant 300 : index
    %swap3A_11 = vector.load %arg8[%swap3A_9, %swap3A_10] : memref<2048x384xf32, #tpu.memory_space<vmem>>, vector<2048x1xf32>
    tpu.vector_store %arg8[%swap3A_9, %swap3A_10], %get3A_8 {strides = array<i32>} : memref<2048x384xf32, #tpu.memory_space<vmem>>, vector<2048x1xf32>,
    %get3A_12 = arith.constant 0 : index
    %get3A_13 = arith.constant 0 : index
    %get3A_14 = vector.load %arg8[%get3A_12, %get3A_13] : memref<2048x384xf32, #tpu.memory_space<vmem>>, vector<2048x384xf32>
    %swap3A_15 = arith.constant 0 : index
    %swap3A_16 = arith.constant 0 : index
    %swap3A_17 = vector.load %arg5[%swap3A_15, %swap3A_16] : memref<2048x384xf32, #tpu.memory_space<vmem>>, vector<2048x384xf32>
    tpu.vector_store %arg5[%swap3A_15, %swap3A_16], %get3A_14 {strides = array<i32>} : memref<2048x384xf32, #tpu.memory_space<vmem>>, vector<2048x384xf32>,
    %get3A_18 = arith.constant 0 : index
    %get3A_19 = arith.constant 0 : index
    %get3A_20 = vector.load %arg9[%get3A_18, %get3A_19] : memref<32x384xf32, #tpu.memory_space<vmem>>, vector<32x384xf32>
    %dot_general3A = arith.constant dense<0.000000e+00> : vector<32x2048xf32>
    %dot_general3A_21 = tpu.matmul %get3A_20, %get3A_14, %dot_general3A {dimension_numbers = #tpu.dot_dimension_numbers<[1], [1], [0], [0], [0, 0, 1, 0], [], []>, transpose_lhs_hint = false} : vector<32x384xf32>, vector<2048x384xf32>, vector<32x2048xf32> -> vector<32x2048xf32>
    %get3A_22 = arith.constant 0 : index
    %get3A_23 = arith.constant 0 : index
    %get3A_24 = vector.load %arg10[%get3A_22, %get3A_23] : memref<384x384xf32, #tpu.memory_space<vmem>>, vector<384x384xf32>
    %dot_general3A_25 = arith.constant dense<0.000000e+00> : vector<2048x384xf32>
    %dot_general3A_26 = tpu.matmul %get3A_14, %get3A_24, %dot_general3A_25 {dimension_numbers = #tpu.dot_dimension_numbers<[1], [0], [0], [1], [0, 0, 1, 1], [], []>, transpose_lhs_hint = false} : vector<2048x384xf32>, vector<384x384xf32>, vector<2048x384xf32> -> vector<2048x384xf32>
    %mul3A = arith.mulf %dot_general3A_26, %get3A_14 : vector<2048x384xf32>
    %broadcast_in_dim3A = arith.constant 1.000000e+00 : f32
    %broadcast_in_dim3A_27 = vector.broadcast %broadcast_in_dim3A : f32 to vector<1x384xf32>
    %dot_general3A_28 = arith.constant dense<0.000000e+00> : vector<1x2048xf32>
    %dot_general3A_29 = tpu.matmul %broadcast_in_dim3A_27, %mul3A, %dot_general3A_28 {dimension_numbers = #tpu.dot_dimension_numbers<[1], [1], [0], [0], [0, 0, 1, 0], [], []>, transpose_lhs_hint = false} : vector<1x384xf32>, vector<2048x384xf32>, vector<1x2048xf32> -> vector<1x2048xf32>
    %mul3A_30 = arith.constant 8.000000e+00 : f32
    %mul3A_31 = vector.broadcast %mul3A_30 : f32 to vector<1x2048xf32>
    %mul3A_32 = arith.mulf %mul3A_31, %dot_general3A_29 : vector<1x2048xf32>
    %sqrt3A = math.sqrt %mul3A_32 : vector<1x2048xf32>
    %max3A = arith.constant 9.99999993E-9 : f32
    %max3A_33 = vector.broadcast %max3A : f32 to vector<1x2048xf32>
    %max3A_34 = arith.maximumf %sqrt3A, %max3A_33 : vector<1x2048xf32>
    %get3A_35 = arith.constant 0 : index
    %get3A_36 = arith.constant 0 : index
    %get3A_37 = vector.load %arg11[%get3A_35, %get3A_36] : memref<32x1xf32, #tpu.memory_space<vmem>>, vector<32x1xf32>
    %max3A_38 = arith.constant 9.99999993E-9 : f32
    %max3A_39 = vector.broadcast %max3A_38 : f32 to vector<32x1xf32>
    %max3A_40 = arith.maximumf %get3A_37, %max3A_39 : vector<32x1xf32>
    %mul3A_41 = vector.broadcast %max3A_34 : vector<1x2048xf32> to vector<32x2048xf32>
    %mul3A_42 = vector.broadcast %max3A_40 : vector<32x1xf32> to vector<32x2048xf32>
    %mul3A_43 = arith.mulf %mul3A_41, %mul3A_42 : vector<32x2048xf32>
    %div3A = arith.divf %dot_general3A_21, %mul3A_43 : vector<32x2048xf32>
    %iota3A = tpu.iota {dimensions = array<i32: 1>} : vector<32x2048xi32>
    %mul3A_44 = arith.constant 2048 : i32
    %mul3A_45 = arith.muli %arg0, %mul3A_44 : i32
    %add3A = vector.broadcast %mul3A_45 : i32 to vector<32x2048xi32>
    %add3A_46 = arith.addi %iota3A, %add3A : vector<32x2048xi32>
    %reduce_max3A = arith.constant dense<0xFF800000> : vector<32xf32>
    %reduce_max3A_47 = vector.multi_reduction <maximumf>, %div3A, %reduce_max3A [1] : vector<32x2048xf32> to vector<32xf32>
    %broadcast_in_dim3A_48 = vector.shape_cast %reduce_max3A_47 : vector<32xf32> to vector<32x1xf32>
    %eq3A_49 = vector.broadcast %broadcast_in_dim3A_48 : vector<32x1xf32> to vector<32x2048xf32>
    %eq3A_50 = arith.cmpf oeq, %div3A, %eq3A_49 : vector<32x2048xf32>
    %jit3A = arith.constant 1073741824 : i32
    %broadcast_in_dim3A_51 = vector.broadcast %jit3A : i32 to vector<32x2048xi32>
    %select_n3A = arith.select %eq3A_50, %add3A_46, %broadcast_in_dim3A_51 : vector<32x2048xi1>, vector<32x2048xi32>
    %reduce_min3A = arith.constant dense<2147483647> : vector<32xi32>
    %reduce_min3A_52 = vector.multi_reduction <minsi>, %select_n3A, %reduce_min3A [1] : vector<32x2048xi32> to vector<32xi32>
    %broadcast_in_dim3A_53 = vector.shape_cast %reduce_min3A_52 : vector<32xi32> to vector<32x1xi32>
    %eq3A_54 = vector.broadcast %broadcast_in_dim3A_53 : vector<32x1xi32> to vector<32x2048xi32>
    %eq3A_55 = arith.cmpi eq, %add3A_46, %eq3A_54 : vector<32x2048xi32>
    %jit3A_56 = arith.constant 0xFF800000 : f32
    %broadcast_in_dim3A_57 = vector.broadcast %jit3A_56 : f32 to vector<32x2048xf32>
    %select_n3A_58 = arith.select %eq3A_55, %broadcast_in_dim3A_57, %div3A : vector<32x2048xi1>, vector<32x2048xf32>
    %reduce_max3A_59 = arith.constant dense<0xFF800000> : vector<32xf32>
    %reduce_max3A_60 = vector.multi_reduction <maximumf>, %select_n3A_58, %reduce_max3A_59 [1] : vector<32x2048xf32> to vector<32xf32>
    %broadcast_in_dim3A_61 = vector.shape_cast %reduce_max3A_60 : vector<32xf32> to vector<32x1xf32>
    %eq3A_62 = vector.broadcast %broadcast_in_dim3A_61 : vector<32x1xf32> to vector<32x2048xf32>
    %eq3A_63 = arith.cmpf oeq, %select_n3A_58, %eq3A_62 : vector<32x2048xf32>
    %jit3A_64 = arith.constant 1073741824 : i32
    %broadcast_in_dim3A_65 = vector.broadcast %jit3A_64 : i32 to vector<32x2048xi32>
    %select_n3A_66 = arith.select %eq3A_63, %add3A_46, %broadcast_in_dim3A_65 : vector<32x2048xi1>, vector<32x2048xi32>
    %reduce_min3A_67 = arith.constant dense<2147483647> : vector<32xi32>
    %reduce_min3A_68 = vector.multi_reduction <minsi>, %select_n3A_66, %reduce_min3A_67 [1] : vector<32x2048xi32> to vector<32xi32>
    %broadcast_in_dim3A_69 = vector.shape_cast %reduce_min3A_68 : vector<32xi32> to vector<32x1xi32>
    %get3A_70 = arith.constant 0 : index
    %get3A_71 = arith.constant 0 : index
    %get3A_72 = vector.load %arg12[%get3A_70, %get3A_71] : memref<32x1xf32, #tpu.memory_space<vmem>>, vector<32x1xf32>
    %get3A_73 = arith.constant 0 : index
    %get3A_74 = arith.constant 0 : index
    %get3A_75 = vector.load %arg13[%get3A_73, %get3A_74] : memref<32x1xf32, #tpu.memory_space<vmem>>, vector<32x1xf32>
    %get3A_76 = arith.constant 0 : index
    %get3A_77 = arith.constant 0 : index
    %get3A_78 = vector.load %arg14[%get3A_76, %get3A_77] : memref<32x1xi32, #tpu.memory_space<vmem>>, vector<32x1xi32>
    %get3A_79 = arith.constant 0 : index
    %get3A_80 = arith.constant 0 : index
    %get3A_81 = vector.load %arg15[%get3A_79, %get3A_80] : memref<32x1xi32, #tpu.memory_space<vmem>>, vector<32x1xi32>
    %gt3A = arith.cmpf ogt, %broadcast_in_dim3A_48, %get3A_72 : vector<32x1xf32>
    %select_n3A_82 = arith.select %gt3A, %broadcast_in_dim3A_48, %get3A_72 : vector<32x1xi1>, vector<32x1xf32>
    %select_n3A_83 = arith.select %gt3A, %broadcast_in_dim3A_53, %get3A_78 : vector<32x1xi1>, vector<32x1xi32>
    %select_n3A_84 = arith.select %gt3A, %get3A_72, %get3A_75 : vector<32x1xi1>, vector<32x1xf32>
    %select_n3A_85 = arith.select %gt3A, %get3A_78, %get3A_81 : vector<32x1xi1>, vector<32x1xi32>
    %select_n3A_86 = arith.select %gt3A, %broadcast_in_dim3A_61, %broadcast_in_dim3A_48 : vector<32x1xi1>, vector<32x1xf32>
    %select_n3A_87 = arith.select %gt3A, %broadcast_in_dim3A_69, %broadcast_in_dim3A_53 : vector<32x1xi1>, vector<32x1xi32>
    %gt3A_88 = arith.cmpf ogt, %select_n3A_86, %select_n3A_84 : vector<32x1xf32>
    %swap3A_89 = arith.constant 0 : index
    %swap3A_90 = arith.constant 0 : index
    %swap3A_91 = vector.load %arg12[%swap3A_89, %swap3A_90] : memref<32x1xf32, #tpu.memory_space<vmem>>, vector<32x1xf32>
    tpu.vector_store %arg12[%swap3A_89, %swap3A_90], %select_n3A_82 {strides = array<i32>} : memref<32x1xf32, #tpu.memory_space<vmem>>, vector<32x1xf32>,
    %swap3A_92 = arith.constant 0 : index
    %swap3A_93 = arith.constant 0 : index
    %swap3A_94 = vector.load %arg14[%swap3A_92, %swap3A_93] : memref<32x1xi32, #tpu.memory_space<vmem>>, vector<32x1xi32>
    tpu.vector_store %arg14[%swap3A_92, %swap3A_93], %select_n3A_83 {strides = array<i32>} : memref<32x1xi32, #tpu.memory_space<vmem>>, vector<32x1xi32>,
    %select_n3A_95 = arith.select %gt3A_88, %select_n3A_86, %select_n3A_84 : vector<32x1xi1>, vector<32x1xf32>
    %swap3A_96 = arith.constant 0 : index
    %swap3A_97 = arith.constant 0 : index
    %swap3A_98 = vector.load %arg13[%swap3A_96, %swap3A_97] : memref<32x1xf32, #tpu.memory_space<vmem>>, vector<32x1xf32>
    tpu.vector_store %arg13[%swap3A_96, %swap3A_97], %select_n3A_95 {strides = array<i32>} : memref<32x1xf32, #tpu.memory_space<vmem>>, vector<32x1xf32>,
    %select_n3A_99 = arith.select %gt3A_88, %select_n3A_87, %select_n3A_85 : vector<32x1xi1>, vector<32x1xi32>
    %swap3A_100 = arith.constant 0 : index
    %swap3A_101 = arith.constant 0 : index
    %swap3A_102 = vector.load %arg15[%swap3A_100, %swap3A_101] : memref<32x1xi32, #tpu.memory_space<vmem>>, vector<32x1xi32>
    tpu.vector_store %arg15[%swap3A_100, %swap3A_101], %select_n3A_99 {strides = array<i32>} : memref<32x1xi32, #tpu.memory_space<vmem>>, vector<32x1xi32>,
    %eq3A_103 = arith.constant 3 : i32
    %eq3A_104 = arith.cmpi eq, %arg0, %eq3A_103 : i32
    %convert_element_type3A_105 = arith.extui %eq3A_104 : i1 to i32
    %cond3A_106 = arith.constant 0 : i32
    %cond3A_107 = arith.cmpi ne, %convert_element_type3A_105, %cond3A_106 : i32
    scf.if %cond3A_107 {
      %get3A_108 = arith.constant 0 : index
      %get3A_109 = arith.constant 0 : index
      %get3A_110 = vector.load %arg12[%get3A_108, %get3A_109] : memref<32x1xf32, #tpu.memory_space<vmem>>, vector<32x1xf32>
      %swap3A_111 = arith.constant 0 : index
      %swap3A_112 = arith.constant 0 : index
      %swap3A_113 = vector.load %arg6[%swap3A_111, %swap3A_112] : memref<32x2xf32, #tpu.memory_space<vmem>>, vector<32x1xf32>
      tpu.vector_store %arg6[%swap3A_111, %swap3A_112], %get3A_110 {strides = array<i32>} : memref<32x2xf32, #tpu.memory_space<vmem>>, vector<32x1xf32>,
      %get3A_114 = arith.constant 0 : index
      %get3A_115 = arith.constant 0 : index
      %get3A_116 = vector.load %arg13[%get3A_114, %get3A_115] : memref<32x1xf32, #tpu.memory_space<vmem>>, vector<32x1xf32>
      %swap3A_117 = arith.constant 0 : index
      %swap3A_118 = arith.constant 1 : index
      %swap3A_119 = vector.load %arg6[%swap3A_117, %swap3A_118] : memref<32x2xf32, #tpu.memory_space<vmem>>, vector<32x1xf32>
      tpu.vector_store %arg6[%swap3A_117, %swap3A_118], %get3A_116 {strides = array<i32>} : memref<32x2xf32, #tpu.memory_space<vmem>>, vector<32x1xf32>,
      %get3A_120 = arith.constant 0 : index
      %get3A_121 = arith.constant 0 : index
      %get3A_122 = vector.load %arg14[%get3A_120, %get3A_121] : memref<32x1xi32, #tpu.memory_space<vmem>>, vector<32x1xi32>
      %swap3A_123 = arith.constant 0 : index
      %swap3A_124 = arith.constant 0 : index
      %swap3A_125 = vector.load %arg7[%swap3A_123, %swap3A_124] : memref<32x2xi32, #tpu.memory_space<vmem>>, vector<32x1xi32>
      tpu.vector_store %arg7[%swap3A_123, %swap3A_124], %get3A_122 {strides = array<i32>} : memref<32x2xi32, #tpu.memory_space<vmem>>, vector<32x1xi32>,
      %get3A_126 = arith.constant 0 : index
      %get3A_127 = arith.constant 0 : index
      %get3A_128 = vector.load %arg15[%get3A_126, %get3A_127] : memref<32x1xi32, #tpu.memory_space<vmem>>, vector<32x1xi32>
      %swap3A_129 = arith.constant 0 : index
      %swap3A_130 = arith.constant 1 : index
      %swap3A_131 = vector.load %arg7[%swap3A_129, %swap3A_130] : memref<32x2xi32, #tpu.memory_space<vmem>>, vector<32x1xi32>
      tpu.vector_store %arg7[%swap3A_129, %swap3A_130], %get3A_128 {strides = array<i32>} : memref<32x2xi32, #tpu.memory_space<vmem>>, vector<32x1xi32>,
    } else {
    }
    return
  }
  func.func @transform_0(%arg0: i32) -> (i32, i32, i32) {
    %c0_i32 = arith.constant 0 : i32
    %c0_i32_0 = arith.constant 0 : i32
    %c0_i32_1 = arith.constant 0 : i32
    %c0_i32_2 = arith.constant 0 : i32
    return %c0_i32, %c0_i32_0, %c0_i32_1 : i32, i32, i32
  }
  func.func @transform_1(%arg0: i32) -> (i32, i32) {
    %c0_i32 = arith.constant 0 : i32
    %c0_i32_0 = arith.constant 0 : i32
    %c0_i32_1 = arith.constant 0 : i32
    return %c0_i32, %c0_i32_0 : i32, i32
  }
  func.func @transform_2(%arg0: i32) -> (i32, i32) {
    %c0_i32 = arith.constant 0 : i32
    %c0_i32_0 = arith.constant 0 : i32
    return %arg0, %c0_i32 : i32, i32
  }
  func.func @transform_3(%arg0: i32) -> (i32, i32) {
    %c0_i32 = arith.constant 0 : i32
    %c0_i32_0 = arith.constant 0 : i32
    return %arg0, %c0_i32 : i32, i32
  }
  func.func @transform_4(%arg0: i32) -> (i32, i32) {
    %c0_i32 = arith.constant 0 : i32
    %c0_i32_0 = arith.constant 0 : i32
    return %arg0, %c0_i32 : i32, i32
  }
  func.func @transform_5(%arg0: i32) -> (i32, i32) {
    %c0_i32 = arith.constant 0 : i32
    %c0_i32_0 = arith.constant 0 : i32
    %c0_i32_1 = arith.constant 0 : i32
    return %c0_i32, %c0_i32_0 : i32, i32
  }
  func.func @transform_6(%arg0: i32) -> (i32, i32) {
    %c0_i32 = arith.constant 0 : i32
    %c0_i32_0 = arith.constant 0 : i32
    %c0_i32_1 = arith.constant 0 : i32
    return %c0_i32, %c0_i32_0 : i32, i32
  }
}

module attributes {stable_mosaic.version = 14 : i64} {
  func.func @_expand_body(%arg0: memref<64x384xf32, #tpu.memory_space<vmem>>, %arg1: memref<384x768xf32, #tpu.memory_space<vmem>>, %arg2: memref<64x768xf32, #tpu.memory_space<vmem>>) attributes {dimension_semantics = [], scalar_prefetch = 0 : i64, scratch_operands = 0 : i64, tpu.core_type = #tpu.core_type<tc>} {
    %get3A = arith.constant 0 : index
    %get3A_0 = arith.constant 0 : index
    %get3A_1 = vector.load %arg0[%get3A, %get3A_0] : memref<64x384xf32, #tpu.memory_space<vmem>>, vector<64x384xf32>
    %get3A_2 = arith.constant 0 : index
    %get3A_3 = arith.constant 0 : index
    %get3A_4 = vector.load %arg1[%get3A_2, %get3A_3] : memref<384x768xf32, #tpu.memory_space<vmem>>, vector<384x768xf32>
    %dot_general3A = arith.constant dense<0.000000e+00> : vector<64x768xf32>
    %dot_general3A_5 = tpu.matmul %get3A_1, %get3A_4, %dot_general3A {dimension_numbers = #tpu.dot_dimension_numbers<[1], [0], [0], [1], [0, 0, 1, 1], [], []>, precision = #tpu.contract_precision<fp32>, transpose_lhs_hint = false} : vector<64x384xf32>, vector<384x768xf32>, vector<64x768xf32> -> vector<64x768xf32>
    %swap3A = arith.constant 0 : index
    %swap3A_6 = arith.constant 0 : index
    %swap3A_7 = vector.load %arg2[%swap3A, %swap3A_6] : memref<64x768xf32, #tpu.memory_space<vmem>>, vector<64x768xf32>
    tpu.vector_store %arg2[%swap3A, %swap3A_6], %dot_general3A_5 {strides = array<i32>} : memref<64x768xf32, #tpu.memory_space<vmem>>, vector<64x768xf32>,
    return
  }
}

</mosaic_0001>

<sc_bundles>
// kernel: kernel.5.cloned.1.call-start
scs
__scs_entry_jumppad:
0x0: {  	(pc) =	sbr.rel $0x88, $3  }
0x1: {  	(tag) =	ssettag $0x0;
	lr =	simm.s32 $0x1  }
0x2: {  	[smem:$0x3F9D] =	sst lr;
	_ =	strace $0xD0000000  }
0x3: {  	_ = 	snop  }
0x4: {  	_ = 	snop  }
0x5: {  	_ = 	snop  }
0x6: {  	_ = 	snop  }
0x7: {  	_ = 	snop  }
__scs_overlays_trampoline_lowered:
0x8: {  	[smem:$0x3FAC] =	sst s0  }
0x9: {  	[smem:$0x3FAD] =	sst s1  }
0xa: {  	[smem:$0x3FAE] =	sst s2  }
0xb: {  	[smem:$0x3FAF] =	sst s3  }
0xc: {  	[smem:$0x3FB0] =	sst s4  }
0xd: {  	[smem:$0x3FB1] =	sst s5  }
0xe: {  	[smem:$0x3FB2] =	sst s6  }
0xf: {  	[smem:$0x3FB3] =	sst s7  }
0x10: {  	[smem:$0x3FB4] =	sst s8  }
0x11: {  	[smem:$0x3FB5] =	sst s9;
	s0 =	simm.s32 @!p0 $0x0  }
0x12: {  	s1 =	sld [smem:$0x3F9B];
	s0 =	simm.s32 @p0 $0x1  }
0x13: {  	[smem:$0x3FB6] =	sst s0;
	s0 =	simm.s32 @!p1 $0x0  }
0x14: {  	s2 =	sld [smem:$0x3F9A];
	s0 =	simm.s32 @p1 $0x1  }
0x15: {  	[smem:$0x3FB7] =	sst s0;
	s0 =	simm.s32 @!p2 $0x0  }
0x16: {  	s3 =	sld [smem:$0x3FDB];
	s0 =	simm.s32 @p2 $0x1  }
0x17: {  	s4 =	simm.s32 $0x1BF5;
	[smem:$0x3FB9] =	sst s0  }
0x18: {  	s0 =	sld [smem:$0x3F9C];
	_ =	swait.ge [sflag:s4], $0x0  }
0x19: {  	s7 =	sld [smem:$0x3F9D]  }
0x1a: {  	s8 =	sadd.s32 $0xFFFFE003, lr  }
0x1b: {  	s9 =	sadd.s32 $0xFFFFFEF7, lr;
	s5 =	simm.s32 $0xFFFFFFFF;
	p2 =	slt.u32 s8, $0xFFFFF086  }
0x1c: {  	p1 =	slt.u32 s9, $0xF7A;
	s5 =	simm.s32 @!p2 $0x0  }
0x1d: {  	s5 =	simm.s32 @p1 $0x1;
	p0 =	seq.s32 s7, s2  }
0x1e: {  	s7 =	smul.u32 @!p0 $0xF7A, s2;
	p2 =	seq.s32 @!p0 s5, $0x0  }
0x1f: {  	s9 =	smul.u32 $0xF7A, s1;
	s8 =	simm.s32 @!p0 $0x1BF5;
	p2 =	por !p2, p0  }
0x20: {  	[sflag:s8] =	ssyncset.s32 @!p0 $0xFFFFF086;
	s6 =	sadd.s32 @!p0 s3, s7;
	s7 =	simm.s32 @!p0 $0x108  }
0x21: {  	s3 =	sadd.s32 s3, s9;
	s6 =	sadd.s32 @!p0 $0x88, s6;
	s7 =	simm.s32 @p2 $0x1082  }
0x22: {  	[simem:s7], [sflag:s8] =	dma.local @!p0 [hbm:s6], $0xF7A  }
0x23: {  	s9 =	sor.u32 $0xD0000000, s2;
	s6 =	simm.s32 $0x108;
	_ =	swait.ge @!p0 [sflag:s8], $0x0  }
0x24: {  	s3 =	sadd.s32 $0x88, s3;
	s6 =	simm.s32 @!p1 $0x1082;
	[sflag:s4] =	ssyncset.s32 $0xFFFFF086  }
0x25: {  	[simem:s6], [sflag:s4] =	dma.local [hbm:s3], $0xF7A  }
0x26: {  	[smem:$0x3F9D] =	sst s1;
	(tag) =	ssettag s2;
	_ =	strace s9  }
0x27: {  	s1 =	sld [smem:$0x3FAD]  }
0x28: {  	s2 =	sld [smem:$0x3FAE]  }
0x29: {  	s4 =	sld [smem:$0x3FB0]  }
0x2a: {  	p0 =	seq.s32 s5, $0x0;
	s5 =	sld [smem:$0x3FB1]  }
0x2b: {  	s6 =	sld [smem:$0x3FB2]  }
0x2c: {  	s7 =	sld [smem:$0x3FB3]  }
0x2d: {  	s3 =	simm.s32 $0x108;
	s8 =	sld [smem:$0x3FB4]  }
0x2e: {  	s3 =	simm.s32 @!p0 $0x1082;
	s9 =	sld [smem:$0x3FB5]  }
0x2f: {  	lr =	sadd.s32 s0, s3;
	s0 =	sld [smem:$0x3FAC]  }
0x30: {  	s3 =	sld [smem:$0x3FAF]  }
0x31: {  	[smem:$0x3FB8] =	sst s10  }
0x32: {  	s10 =	sld [smem:$0x3FB6];
	_ =	sdelay $0x3  }
0x33: {  	p0 =	seq.s32 s10, $0x1;
	s10 =	sld [smem:$0x3FB8];
	_ =	sdelay $0x3  }
0x34: {  	[smem:$0x3FB8] =	sst s10  }
0x35: {  	s10 =	sld [smem:$0x3FB7];
	_ =	sdelay $0x3  }
0x36: {  	p1 =	seq.s32 s10, $0x1;
	s10 =	sld [smem:$0x3FB8];
	_ =	sdelay $0x3  }
0x37: {  	[smem:$0x3FB8] =	sst s10  }
0x38: {  	s10 =	sld [smem:$0x3FB9]  }
0x39: {  	_ = 	snop;
	(pc) =	sbr.ind lr, $3  }
0x3a: {  	_ = 	snop  }
0x3b: {  	_ = 	snop  }
0x3c: {  	p2 =	seq.s32 s10, $0x1;
	s10 =	sld [smem:$0x3FB8]  }
0x3d: {  	_ =	shalt  }
0x3e: {  	_ =	shalt  }
0x3f: {  	_ =	shalt  }
0x40: {  	_ =	shalt  }
0x41: {  	_ =	shalt  }
0x42: {  	_ =	shalt  }
0x43: {  	_ =	shalt  }
0x44: {  	_ =	shalt  }
0x45: {  	_ =	shalt  }
0x46: {  	_ =	shalt  }
0x47: {  	_ =	shalt  }
0x48: {  	_ =	shalt  }
0x49: {  	_ =	shalt  }
0x4a: {  	_ =	shalt  }
0x4b: {  	_ =	shalt  }
0x4c: {  	_ =	shalt  }
0x4d: {  	_ =	shalt  }
0x4e: {  	_ =	shalt  }
0x4f: {  	_ =	shalt  }
0x50: {  	_ =	shalt  }
0x51: {  	_ =	shalt  }
0x52: {  	_ =	shalt  }
0x53: {  	_ =	shalt  }
0x54: {  	_ =	shalt  }
0x55: {  	_ =	shalt  }
0x56: {  	_ =	shalt  }
0x57: {  	_ =	shalt  }
0x58: {  	_ =	shalt  }
0x59: {  	_ =	shalt  }
0x5a: {  	_ =	shalt  }
0x5b: {  	_ =	shalt  }
0x5c: {  	_ =	shalt  }
0x5d: {  	_ =	shalt  }
0x5e: {  	_ =	shalt  }
0x5f: {  	_ =	shalt  }
0x60: {  	_ =	shalt  }
0x61: {  	_ =	shalt  }
0x62: {  	_ =	shalt  }
0x63: {  	_ =	shalt  }
0x64: {  	_ =	shalt  }
0x65: {  	_ =	shalt  }
0x66: {  	_ =	shalt  }
0x67: {  	_ =	shalt  }
0x68: {  	_ =	shalt  }
0x69: {  	_ =	shalt  }
0x6a: {  	_ =	shalt  }
0x6b: {  	_ =	shalt  }
0x6c: {  	_ =	shalt  }
0x6d: {  	_ =	shalt  }
0x6e: {  	_ =	shalt  }
0x6f: {  	_ =	shalt  }
0x70: {  	_ =	shalt  }
0x71: {  	_ =	shalt  }
0x72: {  	_ =	shalt  }
0x73: {  	_ =	shalt  }
0x74: {  	_ =	shalt  }
0x75: {  	_ =	shalt  }
0x76: {  	_ =	shalt  }
0x77: {  	_ =	shalt  }
0x78: {  	_ =	shalt  }
0x79: {  	_ =	shalt  }
0x7a: {  	_ =	shalt  }
0x7b: {  	_ =	shalt  }
0x7c: {  	_ =	shalt  }
0x7d: {  	_ =	shalt  }
0x7e: {  	_ =	shalt  }
0x7f: {  	_ =	shalt  }
0x80: {  	_ =	shalt  }
0x81: {  	_ =	shalt  }
0x82: {  	_ =	shalt  }
0x83: {  	_ =	shalt  }
0x84: {  	_ =	shalt  }
0x85: {  	_ =	shalt  }
0x86: {  	_ =	shalt  }
0x87: {  	_ =	shalt  }
.Lfunc_end0:
.L_simem_size_0:
called_computation_lowered:
.L_overlay_start_0:
0x88: {  	s2 =	sld [smem:$0x3FD9]  }
0x89: {  	s3 =	sld [smem:$0x3FFE];
	_ =	sdelay $0x1  }
0x8a: {  	s1 =	srdreg.scid  }
0x8b: {  	s0 =	sand.u32 $0x1, s1  }
0x8c: {  	s14 =	sshll.u32 s0, $0xA;
	s2 =	sadd.s32 s3, s2  }
0x8d: {  	s2 =	sadd.s32 s2, s14  }
0x8e: {  	[smem:$0x3FC4] =	sst s2  }
0x8f: {  	_ = 	snop  }
0x90: {  	s2 =	sld [smem:$0x3FD0];
	_ =	sdelay $0x2  }
0x91: {  	s15 =	simm.s32 $0xA;
	s4 =	simm.s32 $0x10  }
0x92: {  	[smem:s4], [sflag:s15] =	dma.local [hbm:s2], $0x1  }
0x93: {  	_ =	swait.eq [sflag:s15], $0x1  }
0x94: {  	[sflag:s15] =	ssyncset.done $0x0  }
0x95: {  	[sflag:s15] =	ssyncadd.s32 $0xFFFFFFFF  }
0x96: {  	s16 =	sld [smem:$0x10];
	(tm) =	ssettm $0x1  }
0x97: {  	s17 =	sld [smem:$0x3FFB];
	_ =	sdelay $0x3  }
0x98: {  	_ =	strace s17  }
0x99: {  	s3 =	sld [smem:$0x3FFC];
	_ =	sdelay $0x3  }
0x9a: {  	_ =	strace s3  }
0x9b: {  	s3 =	sld [smem:$0x3FFD];
	_ =	sdelay $0x3  }
0x9c: {  	_ =	strace s3  }
0x9d: {  	_ =	strace $0x8FFFFFFF  }
0x9e: {  	s18 =	sld [smem:$0x3FDB];
	_ =	sdelay $0x1  }
0x9f: {  	s19 =	simm.s32 $_scs_section_size  }
0xa0: {  	s5 =	simm.s32 $_size__tile_overlayer_lowered;
	s6 =	simm.s32 $_tile_overlayer_lowered  }
0xa1: {  	s22 =	simm.s32 $0x1BFF;
	s21 =	sshll.u32 s6, $0x1;
	s3 =	sadd.s32 s19, s18  }
0xa2: {  	s7 =	simm.s32 $0x0;
	s20 =	sshll.u32 s5, $0x1;
	s5 =	sadd.s32 s21, s3  }
0xa3: {  	[timem:s7], [sflag:s22] =	dma.local [hbm:s5], s20  }
0xa4: {  	_ =	swait.ge [sflag:s22], s20  }
0xa5: {  	s4 =	ssub.s32 $0x0, s20;
	[sflag:s22] =	ssyncset.done $0x0  }
0xa6: {  	[sflag:s22] =	ssyncadd.s32 s4;
	_ =	sdelay $0x1  }
0xa7: {  	s23 =	simm.s32 $0x1B8B  }
0xa8: {  	_ =	swait.ge [sflag:s23], $0x1  }
0xa9: {  	[sflag:s23] =	ssyncset.done $0x0  }
0xaa: {  	s25 =	simm.s32 $0x1B8E;
	s24 =	sld [smem:$0x3FFE];
	[sflag:s23] =	ssyncadd.s32 $0xFFFFFFFF  }
0xab: {  	s26 =	simm.s32 $execute0_lowered;
	[smem:$0x3FD2] =	sst s25  }
0xac: {  	s5 =	sshll.u32 s26, $0x1;
	_ =	strace $0x80000046;
	[dreg:$0x1] =	wrdreg $0xFFFFFFFF  }
0xad: {  	s28 =	simm.s32 $_size_execute0_lowered;
	s3 =	sadd.s32 s3, s5;
	[dreg:$0x0] =	wrdreg $0x0  }
0xae: {  	s5 =	sshll.u32 s28, $0x1;
	[dreg:$0x2] =	wrdreg s3  }
0xaf: {  	[dreg:$0x3] =	wrdreg s5  }
0xb0: {  	[dreg:$0x4] =	wrdreg $0xC0  }
0xb1: {  	_ =	task [dreg:s7], $0x5FFFF  }
0xb2: {  	[dreg:$0x1] =	wrdreg $0xFFFFFFFF  }
0xb3: {  	[dreg:$0x0] =	wrdreg $0x60  }
0xb4: {  	[dreg:$0x2] =	wrdreg s24  }
0xb5: {  	[dreg:$0x3] =	wrdreg s16  }
0xb6: {  	[dreg:$0x4] =	wrdreg $0x9  }
0xb7: {  	_ =	task.clear_ibuf [dreg:s7], $0x5FFFF;
	_ =	strace $0x90000046  }
0xb8: {  	s29 =	simm.s32 $0x9;
	_ =	strace $0x80000048  }
0xb9: {  	_ =	swait.ge [sflag:s29], $0x1  }
0xba: {  	[sflag:s29] =	ssyncadd.s32 $0xFFFFFFFF  }
0xbb: {  	_ =	strace $0x90000048  }
0xbc: {  	_ =	sfence  }
0xbd: {  	s30 =	sld [smem:$0x0];
	_ =	sdelay $0x2  }
0xbe: {  	s31 =	sshll.u32 s1, $0xD;
	s1 =	sshrl.u32 s1, $0x2  }
0xbf: {  	s3 =	sand.u32 $0x4000, s31;
	s1 =	sadd.s32 s1, s30  }
0xc0: {  	s0 =	sor.u32 s3, s0;
	s1 =	sshll.u32 s1, $0x11  }
0xc1: {  	s0 =	sor.u32 s1, s0  }
0xc2: {  	s0 =	sadd.s32 $0x8F2B, s0  }
0xc3: {  	[sflag:s0] =	ssyncadd.remote.s32 $0x1  }
0xc4: {  	_ =	sfence.sel $0xFFFF  }
0xc5: {  	[dreg:$0x0] =	wrdreg $0xFFFFFFFF;
	(pc) =	sbr.abs _section_cstart, $3  }
0xc6: {  	[dreg:$0x1] =	wrdreg $0xFFFFFFFF  }
0xc7: {  	_ =	task.clear_ibuf [dreg:s7], $0x2FFFF;
	_ =	strace $0x9FFFFFFF  }
0xc8: {  	(tm) =	ssettm $0x7FFFFFFF  }
0xc9: {  	_ =	shalt  }
tec
execute0_lowered:
.L_overlay_start_1:
0x0: {  	(tag) =	ssettag $0x1  }
0x1: {  	s1 =	stileid.u32  }
0x2: {  	p0 =	sgt.u32 s1, $0x3  }
.Ltmp0:
0x3: {  	_ = 	snop;
	(pc) =	sbr.rel @p0 .LBB2_4-.Ltmp0, $4  }
0x4: {  	s6 =	rddreg [dreg:$0x0]  }
0x5: {  	s10 =	rddreg [dreg:$0x1];
	s2 =	simm.s32 $0x0  }
0x6: {  	[smem:$0x7FF] =	sst s2  }
0x7: {  	s0 =	rddreg [dreg:$0x2];
	_ =	strace $0x80000047  }
0x8: {  	s3 =	srdreg.scid  }
0x9: {  	s30 =	sshll.u32 s1, $0x1;
	s8 =	sand.u32 $0x1, s3  }
0xa: {  	s4 =	sadd.s32 $0x61000, s6;
	s11 =	sor.u32 s8, s30  }
0xb: {  	s3 =	simm.s32 $0x2;
	s4 =	sadd.s32 s4, s11  }
0xc: {  	[tilespmem:s2], [sflag:$0x2] =	stream.linear.gather [hbm4b:s4+s2], $0x8, $0x38;
	[tilespmem:$0xC80] =	vst v63  }
0xd: {  	_ =	swait.ge [sflag:s3], $0x8  }
0xe: {  	[sflag:s3] =	ssyncset.done $0x0  }
0xf: {  	[sflag:s3] =	ssyncadd.s32 $0xFFFFFFF8  }
0x10: {  	v0 =	vld.msk [tilespmem:$0x0], $0xff;
	_ =	sdelay $0x4  }
0x11: {  	v1 =	vshrl.u32 v0, $0x3  }
0x12: {  	v1 =	vmul.u32 $0x18, v1  }
0x13: {  	v2 =	vlaneseq.u32;
	v3 =	vand.u32 $0x7, v0  }
0x14: {  	v0 =	vand.u32 $0x7, v2;
	v2 =	vshrl.u32 v2, $0x3;
	v3 =	vor.u32 v3, v1  }
0x15: {  	v1 =	vmul.u32 $0x8, v2;
	v2 =	vperm.xlane v3, v0;
	_ =	sdelay $0x1  }
0x16: {  	v2 =	vadd.s32 v1, v2;
	_ =	sdelay $0x1  }
0x17: {  	s12 =	ssub.s32 $0x2, s8  }
0x18: {  	s5 =	sadd.s32 $0x1000, s6;
	s13 =	sshrl.u32 s12, $0x1  }
0x19: {  	s6 =	sadd.s32 $0x1100, s6;
	vm0 =	vmmov $0xffff;
	s7 =	simm.s32 $0x80;
	s12 =	ssub.s32 s12, s13  }
0x1a: {  	[tilespmem:s7], [sflag:$0x1] =	stream.indirect_vreg.gather [hbm4b:s5+s2], $0x80, v2, vm0, $0xb8;
	[tilespmem:$0xC80] =	vst v63  }
0x1b: {  	vm1 =	vmmov $0xff;
	s9 =	simm.s32 $0x1;
	s8 =	simm.s32 $0x880;
	s31 =	smax.u32 s12, $0x1  }
0x1c: {  	[tilespmem:s8], [sflag:$0x1] =	stream.indirect_vreg.gather [hbm4b:s6+s2], $0x80, v2, vm1, $0xb8;
	[tilespmem:$0xC80] =	vst v63  }
0x1d: {  	s11 =	smul.u32 $0x180, s11;
	p0 =	sne.s32 s31, $0x1;
	_ =	swait.ge [sflag:s9], $0xC00  }
.Ltmp1:
0x1e: {  	[sflag:s9] =	ssyncset.done $0x0;
	(pc) =	sbr.rel @!p0 .LBB2_3-.Ltmp1, $4  }
0x1f: {  	s10 =	sadd.s32 s10, s11;
	[sflag:s9] =	ssyncadd.s32 $0xFFFFF400  }
0x20: {  	[hbm4b:s10+s2] =	stream.linear.scatter [tilespmem:s7], [sflag:$0x2], $0xC00, $0x38;
	[tilespmem:$0xC80] =	vst v63  }
0x21: {  	_ =	swait.ge [sflag:s3], $0xC00  }
0x22: {  	s11 =	sadd.s32 $0xFFFFFFFF, s31;
	[sflag:s3] =	ssyncset.done $0x0  }
.LBB2_2:
0x23: {  	p0 =	sne.s32 s11, $0x1;
	s11 =	sadd.s32 $0xFFFFFFFF, s11;
	[sflag:s3] =	ssyncadd.s32 $0xFFFFF400  }
0x24: {  	[tilespmem:s2], [sflag:$0x2] =	stream.linear.gather [hbm4b:s4+s2], $0x8, $0x38;
	[tilespmem:$0xC80] =	vst v63  }
0x25: {  	_ =	swait.ge [sflag:s3], $0x8  }
0x26: {  	[sflag:s3] =	ssyncset.done $0x0  }
0x27: {  	[sflag:s3] =	ssyncadd.s32 $0xFFFFFFF8  }
0x28: {  	v2 =	vld.msk [tilespmem:$0x0], $0xff;
	_ =	sdelay $0x4  }
0x29: {  	v3 =	vshrl.u32 v2, $0x3  }
0x2a: {  	v3 =	vmul.u32 $0x18, v3  }
0x2b: {  	v2 =	vand.u32 $0x7, v2  }
0x2c: {  	v2 =	vor.u32 v2, v3  }
0x2d: {  	v2 =	vperm.xlane v2, v0;
	_ =	sdelay $0x1  }
0x2e: {  	v2 =	vadd.s32 v1, v2;
	_ =	sdelay $0x4  }
0x2f: {  	[tilespmem:s7], [sflag:$0x1] =	stream.indirect_vreg.gather [hbm4b:s5+s2], $0x80, v2, vm0, $0xb8;
	[tilespmem:$0xC80] =	vst v63  }
0x30: {  	_ = 	snop  }
0x31: {  	[tilespmem:s8], [sflag:$0x1] =	stream.indirect_vreg.gather [hbm4b:s6+s2], $0x80, v2, vm1, $0xb8;
	[tilespmem:$0xC80] =	vst v63  }
0x32: {  	_ =	swait.ge [sflag:s9], $0xC00  }
.Ltmp2:
0x33: {  	[sflag:s9] =	ssyncset.done $0x0;
	(pc) =	sbr.rel @p0 .LBB2_2-.Ltmp2, $4  }
0x34: {  	[sflag:s9] =	ssyncadd.s32 $0xFFFFF400  }
0x35: {  	[hbm4b:s10+s2] =	stream.linear.scatter [tilespmem:s7], [sflag:$0x2], $0xC00, $0x38;
	[tilespmem:$0xC80] =	vst v63  }
0x36: {  	_ =	swait.ge [sflag:s3], $0xC00  }
0x37: {  	[sflag:s3] =	ssyncset.done $0x0  }
.LBB2_3:
0x38: {  	[sflag:s3] =	ssyncadd.s32 $0xFFFFF400  }
.LBB2_4:
0x39: {  	_ =	sfence.sel $0x180000  }
0x3a: {  	[bflag:$0x0] =	sbarrier.arrive $0xFFFF  }
0x3b: {  	p0 =	sne.s32 s1, $0x0;
	_ =	strace $0x90000047  }
0x3c: {  	s0 =	sadd.s32 @!p0 $0x100000, s0;
	[bflag:$0x2] =	sbarrier.arrive $0xFFFF  }
0x3d: {  	[sflag:s0] =	ssyncadd.tile.s32 @!p0 $0x1;
	_ =	shalt  }
.Lfunc_end2:
_tile_overlayer_lowered:
.L_overlay_start_2:
0x3e: {  	(tag) =	ssettag $0x2  }
0x3f: {  	s0 =	rddreg [dreg:$0x0];
	s2 =	stileid.u32  }
0x40: {  	s1 =	rddreg [dreg:$0x1];
	p0 =	sne.s32 s2, $0x0  }
0x41: {  	s3 =	rddreg [dreg:$0x2];
	[bflag:$0x3] =	sbarrier.arrive $0xFFFF;
	s2 =	simm.s32 @!p0 $0x1C02  }
0x42: {  	[timem:s3], [sflag:s2] =	dma.local @!p0 [hbm:s0], s1  }
0x43: {  	s0 =	simm.s32 @!p0 $0x2  }
0x44: {  	_ =	swait.ge @!p0 [sflag:s0], s1  }
0x45: {  	s1 =	ssub.s32 @!p0 $0x0, s1;
	[sflag:s0] =	ssyncset.done @!p0 $0x0  }
0x46: {  	[sflag:s0] =	ssyncadd.s32 @!p0 s1  }
0x47: {  	[bflag:$0x3] =	sbarrier.arrive $0xFFFF  }
0x48: {  	_ =	shalt  }

</sc_bundles>
